<compile_context>
chip_gen: v7x
topology: tpu7x:2x2x1
jax: 0.10.2.dev20260603
libtpu: 0.0.44.dev20260713+nightly
codegen_flags: <defaults>
</compile_context>

<pallas_src>
import functools

import jax
import jax.numpy as jnp
from jax import lax
from jax.experimental import pallas as pl
from jax.experimental.pallas import tpu as pltpu
from jax.experimental.pallas import tpu_sc as plsc

B = 16384
D = 16
NF = 10
MLP_IN = (NF + 1) * D

NC = 2
NS = 16
NW = NC * NS

N_IDX = B * NF
N_PER_W = N_IDX // NW
CHUNK = 128
N_CHUNKS = N_PER_W // CHUNK


def _sc_gather(emb_hbm, fc_hbm, idx_hbm, emb_out, fc_out,
               idx_v, emb_v, fc_v, sem_e, sem_f):
    wid = lax.axis_index("s") * NC + lax.axis_index("c")
    base = wid * N_PER_W
    pltpu.sync_copy(idx_hbm.at[pl.ds(base, N_PER_W)], idx_v)

    def fire(j, carry):
        sl = pl.ds(j * CHUNK, CHUNK)
        pltpu.make_async_copy(emb_hbm.at[idx_v.at[sl]], emb_v.at[sl], sem_e).start()
        pltpu.make_async_copy(fc_hbm.at[idx_v.at[sl]], fc_v.at[sl], sem_f).start()
        return carry

    lax.fori_loop(0, N_CHUNKS, fire, 0)

    def drain(j, carry):
        sl = pl.ds(j * CHUNK, CHUNK)
        pltpu.make_async_copy(emb_hbm.at[idx_v.at[sl]], emb_v.at[sl], sem_e).wait()
        pltpu.make_async_copy(fc_hbm.at[idx_v.at[sl]], fc_v.at[sl], sem_f).wait()
        return carry

    lax.fori_loop(0, N_CHUNKS, drain, 0)

    pltpu.sync_copy(emb_v, emb_out.at[pl.ds(base, N_PER_W)])
    pltpu.sync_copy(fc_v, fc_out.at[pl.ds(base, N_PER_W)])


@functools.cache
def _gather_call():
    return pl.kernel(
        _sc_gather,
        out_type=(
            jax.ShapeDtypeStruct((N_IDX, D), jnp.float32),
            jax.ShapeDtypeStruct((N_IDX,), jnp.float32),
        ),
        mesh=plsc.VectorSubcoreMesh(core_axis_name="c", subcore_axis_name="s"),
        scratch_types=[
            pltpu.VMEM((N_PER_W,), jnp.int32),
            pltpu.VMEM((N_PER_W, D), jnp.float32),
            pltpu.VMEM((N_PER_W,), jnp.float32),
            pltpu.SemaphoreType.DMA,
            pltpu.SemaphoreType.DMA,
        ],
        compiler_params=pltpu.CompilerParams(use_tc_tiling_on_sc=False),
    )


VOCAB = 1000000
TSLAB = 3200
NTS = VOCAB // TSLAB
TTAIL0 = NTS * TSLAB


def _tc_transpose(src_ref, out_ref):
    x = src_ref[...]
    z = x.T
    y = z.reshape(TSLAB // 8, 8, D)
    out_ref[...] = jnp.concatenate([y[:, k, :] for k in range(8)], axis=1)


@functools.cache
def _transpose_call():
    return pl.pallas_call(
        _tc_transpose,
        grid=(NTS,),
        in_specs=[pl.BlockSpec((D, TSLAB), lambda i: (0, i))],
        out_specs=pl.BlockSpec((TSLAB // 8, 128), lambda i: (i, 0)),
        out_shape=jax.ShapeDtypeStruct((VOCAB * D // 128, 128), jnp.float32),
    )


BB = 2048


def _tc_dense(emb_ref, fc_ref, genre_ref, bias_ref, wg_ref, w1_ref, b1_ref,
              w2_ref, b2_ref, w3_ref, b3_ref, out_ref):
    emb = emb_ref[...]
    genre = genre_ref[...]
    eg = jnp.dot(genre, wg_ref[...], preferred_element_type=jnp.float32)

    sel = (lax.broadcasted_iota(jnp.int32, (NF * D, D), 0) % D
           == lax.broadcasted_iota(jnp.int32, (NF * D, D), 1)).astype(jnp.float32)
    t = jnp.dot(emb, sel, precision=lax.Precision.HIGHEST,
                preferred_element_type=jnp.float32)
    tsq = jnp.dot(emb * emb, sel, precision=lax.Precision.HIGHEST,
                  preferred_element_type=jnp.float32)
    s = t + eg
    sos = tsq + eg * eg
    fm2 = 0.5 * jnp.sum(s * s - sos, axis=1)

    fm1 = bias_ref[0] + jnp.sum(fc_ref[...], axis=1) + jnp.sum(eg, axis=1)

    h = jnp.concatenate([emb, eg], axis=1)
    h = jnp.dot(h, w1_ref[...], preferred_element_type=jnp.float32) + b1_ref[...]
    h = jnp.maximum(h, 0.0)
    h = jnp.dot(h, w2_ref[...], preferred_element_type=jnp.float32) + b2_ref[...]
    h = jnp.maximum(h, 0.0)
    mlp = jnp.dot(h, w3_ref[...], preferred_element_type=jnp.float32)[:, 0] + b3_ref[0]

    out_ref[...] = jax.nn.sigmoid(fm1 + fm2 + mlp)


@functools.cache
def _dense_call():
  return pl.pallas_call(
    _tc_dense,
    grid=(B // BB,),
    in_specs=[
        pl.BlockSpec((BB, NF * D), lambda i: (i, 0)),
        pl.BlockSpec((BB, NF), lambda i: (i, 0)),
        pl.BlockSpec((BB, 18), lambda i: (i, 0)),
        pl.BlockSpec(memory_space=pltpu.SMEM),
        pl.BlockSpec((18, D), lambda i: (0, 0)),
        pl.BlockSpec((MLP_IN, 128), lambda i: (0, 0)),
        pl.BlockSpec((128,), lambda i: (0,)),
        pl.BlockSpec((128, 64), lambda i: (0, 0)),
        pl.BlockSpec((64,), lambda i: (0,)),
        pl.BlockSpec((64, 1), lambda i: (0, 0)),
        pl.BlockSpec(memory_space=pltpu.SMEM),
    ],
    out_specs=pl.BlockSpec((BB,), lambda i: (i,)),
    out_shape=jax.ShapeDtypeStruct((B,), jnp.float32),
  )


def kernel(x, bias, fc_table, W_genre, emb_table, W1, b1, W2, b2, W3, b3):
    idx_flat = x[:, :NF].reshape(-1)
    genre = x[:, NF:].astype(jnp.float32)
    emb_lin = _transpose_call()(emb_table.T)
    tail = emb_table[TTAIL0:, :].reshape(TSLAB // 16, 128)
    emb_lin = lax.dynamic_update_slice(emb_lin, tail, (TTAIL0 * D // 128, 0))
    emb_lin = emb_lin.reshape(VOCAB, D)
    emb_g, fc_g = _gather_call()(emb_lin, fc_table.reshape(-1), idx_flat)
    emb2 = emb_g.reshape(B, NF * D)
    fc2 = fc_g.reshape(B, NF)
    return _dense_call()(emb2, fc2, genre, bias, W_genre, W1, b1, W2, b2, W3, b3)

# --- scband reference (transcript-rebuilt; emitter-appended) ---
"""Pipeline reference for scband-deep-fm-5145370821260 (READ-ONLY COPY).

The authoritative reference and input builder live on the scoring server;
editing this copy changes nothing except your own understanding.
"""

import jax, jax.numpy as jnp
import numpy as np

B = 16384
VOCAB = 1000000
D = 16
N_FIELDS = 10
MLP_IN = (N_FIELDS + 1) * D  # 176


def setup_inputs(seed: int = 0) -> dict:
    key = jax.random.key(seed)
    ks = jax.random.split(key, 12)
    x = jax.random.randint(ks[0], (B, N_FIELDS + 18), 0, VOCAB, dtype=jnp.int32)
    bias = jnp.zeros((1,), jnp.float32)
    fc_table = jax.random.normal(ks[1], (VOCAB, 1), jnp.float32) * 0.01
    W_genre = jax.random.normal(ks[2], (18, D), jnp.float32) * 0.01
    emb_table = jax.random.normal(ks[3], (VOCAB, D), jnp.float32) * 0.01
    W1 = jax.random.normal(ks[4], (MLP_IN, 128), jnp.float32) * 0.05
    b1 = jnp.zeros((128,), jnp.float32)
    W2 = jax.random.normal(ks[5], (128, 64), jnp.float32) * 0.05
    b2 = jnp.zeros((64,), jnp.float32)
    W3 = jax.random.normal(ks[6], (64, 1), jnp.float32) * 0.05
    b3 = jnp.zeros((1,), jnp.float32)
    return {"x": x, "bias": bias, "fc_table": fc_table, "W_genre": W_genre,
            "emb_table": emb_table, "W1": W1, "b1": b1, "W2": W2, "b2": b2,
            "W3": W3, "b3": b3}


def reference(x, bias, fc_table, W_genre, emb_table, W1, b1, W2, b2, W3, b3):
    idx = x[:, :-18]
    genre = x[:, -18:].astype(jnp.float32)
    # embedding lookups (SparseCore gathers)
    embed_x = jnp.take(emb_table, idx, axis=0)          # [B, 10, D]
    eg = (genre @ W_genre)[:, None, :]                   # [B, 1, D]
    inp = jnp.concatenate([embed_x, eg], axis=1)         # [B, 11, D]
    # FM first-order + second-order terms
    fm_y = bias + jnp.sum(jnp.take(fc_table, idx, axis=0), axis=1) + jnp.sum(eg, axis=2)  # [B, 1]
    square_of_sum = jnp.sum(inp, axis=1) ** 2
    sum_of_square = jnp.sum(inp ** 2, axis=1)
    fm_y = fm_y + 0.5 * jnp.sum(square_of_sum - sum_of_square, axis=1, keepdims=True)
    # Deep MLP part (dropout is identity at inference)
    h = inp.reshape(-1, MLP_IN)
    h = jax.nn.relu(h @ W1 + b1)
    h = jax.nn.relu(h @ W2 + b2)
    mlp_y = h @ W3 + b3                                   # [B, 1]
    y = jax.nn.sigmoid(fm_y[:, 0] + mlp_y[:, 0])          # [B]
    return y

if __name__ == "__main__":
    import jax
    _d = setup_inputs()
    print(jax.jit(kernel)(*tuple(_d.values())))

</pallas_src>

<mosaic_0001>
#map = affine_map<(d0, d1) -> (0, 0)>
#map1 = affine_map<(d0, d1) -> (0)>
module attributes {stable_mosaic.version = 14 : i64} {
  func.func @_sc_gather(%arg0: i32, %arg1: i32, %arg2: memref<1000000x16xf32, #tpu.memory_space<hbm>>, %arg3: memref<1000000xf32, #tpu.memory_space<hbm>>, %arg4: memref<163840xi32, #tpu.memory_space<hbm>>, %arg5: memref<163840x16xf32, #tpu.memory_space<hbm>>, %arg6: memref<163840xf32, #tpu.memory_space<hbm>>, %arg7: memref<5120xi32, #tpu.memory_space<vmem>>, %arg8: memref<5120x16xf32, #tpu.memory_space<vmem>>, %arg9: memref<5120xf32, #tpu.memory_space<vmem>>, %arg10: memref<!tpu.dma_semaphore, #tpu.memory_space<semaphore_mem>>, %arg11: memref<!tpu.dma_semaphore, #tpu.memory_space<semaphore_mem>>) attributes {dimension_semantics = [#tpu.dimension_semantics<core_parallel>, #tpu.dimension_semantics<subcore_parallel>], iteration_bounds = array<i64: 2, 16>, scalar_prefetch = 0 : i64, scratch_operands = 5 : i64, tpu.core_type = #tpu.core_type<sc_vector_subcore>, window_params = [{transform_indices = #map}, {transform_indices = #map1}, {transform_indices = #map1}, {transform_indices = #map}, {transform_indices = #map1}]} {
    %mul3A = arith.constant 2 : i32
    %mul3A_0 = arith.muli %arg1, %mul3A : i32
    %add3A = arith.addi %mul3A_0, %arg0 : i32
    %mul3A_1 = arith.constant 5120 : i32
    %mul3A_2 = arith.muli %add3A, %mul3A_1 : i32
    "tpu.region"() ({
      %run_scoped3A = tpu.sem_alloc : memref<!tpu.dma_semaphore, #tpu.memory_space<semaphore_mem>>
      %dma_start3A = tpu.memref_slice %arg4[%mul3A_2] : memref<163840xi32, #tpu.memory_space<hbm>> -> memref<5120xi32, #tpu.memory_space<hbm>>
      %dma_start3A_14 = tpu.memref_slice %arg4[%mul3A_2] : memref<163840xi32, #tpu.memory_space<hbm>> -> memref<5120xi32, #tpu.memory_space<hbm>>
      tpu.enqueue_dma source(%dma_start3A_14 : memref<5120xi32, #tpu.memory_space<hbm>>) target(%arg7 : memref<5120xi32, #tpu.memory_space<vmem>>) target_semaphore(%run_scoped3A : memref<!tpu.dma_semaphore, #tpu.memory_space<semaphore_mem>>)
      %dma_wait3A = tpu.memref_slice %arg4[%mul3A_2] : memref<163840xi32, #tpu.memory_space<hbm>> -> memref<5120xi32, #tpu.memory_space<hbm>>
      %dma_wait3A_15 = tpu.memref_slice %arg4[%mul3A_2] : memref<163840xi32, #tpu.memory_space<hbm>> -> memref<5120xi32, #tpu.memory_space<hbm>>
      tpu.wait_dma2 semaphore(%run_scoped3A : memref<!tpu.dma_semaphore, #tpu.memory_space<semaphore_mem>>) src(%dma_wait3A_15 : memref<5120xi32, #tpu.memory_space<hbm>>) dst(%arg7 : memref<5120xi32, #tpu.memory_space<vmem>>)
      tpu.yield
    }) : () -> ()
    %scan3A = arith.constant 0 : i32
    %scan3A_3 = arith.constant 0 : i32
    %scan3A_4 = arith.constant 40 : i32
    %scan3A_5 = arith.addi %scan3A_3, %scan3A_4 : i32
    %scan3A_6 = arith.constant 1 : i32
    scf.for %scan3A_14 = %scan3A_3 to %scan3A_5 step %scan3A_6  : i32 {
      %mul3A_15 = arith.constant 128 : i32
      %mul3A_16 = arith.muli %scan3A_14, %mul3A_15 : i32
      %dma_start3A = arith.constant 0 : i32
      %dma_start3A_17 = tpu.memref_slice %arg8[%mul3A_16, %dma_start3A] : memref<5120x16xf32, #tpu.memory_space<vmem>> -> memref<128x16xf32, #tpu.memory_space<vmem>>
      %dma_start3A_18 = tpu.memref_slice %arg7[%mul3A_16] : memref<5120xi32, #tpu.memory_space<vmem>> -> memref<128xi32, #tpu.memory_space<vmem>>
      %dma_start3A_19 = arith.constant 0 : i32
      %dma_start3A_20 = arith.constant 0 : i32
      %dma_start3A_21 = tpu.memref_slice %arg2[%dma_start3A_19, %dma_start3A_20] : memref<1000000x16xf32, #tpu.memory_space<hbm>> -> memref<1000000x16xf32, #tpu.memory_space<hbm>>
      tpu.enqueue_indirect_dma source(%dma_start3A_21 : memref<1000000x16xf32, #tpu.memory_space<hbm>>) target(%dma_start3A_17 : memref<128x16xf32, #tpu.memory_space<vmem>>) offsets(%dma_start3A_18 : memref<128xi32, #tpu.memory_space<vmem>>) semaphore(%arg10 : memref<!tpu.dma_semaphore, #tpu.memory_space<semaphore_mem>>)
      %dma_start3A_22 = tpu.memref_slice %arg9[%mul3A_16] : memref<5120xf32, #tpu.memory_space<vmem>> -> memref<128xf32, #tpu.memory_space<vmem>>
      %dma_start3A_23 = tpu.memref_slice %arg7[%mul3A_16] : memref<5120xi32, #tpu.memory_space<vmem>> -> memref<128xi32, #tpu.memory_space<vmem>>
      %dma_start3A_24 = arith.constant 0 : i32
      %dma_start3A_25 = tpu.memref_slice %arg3[%dma_start3A_24] : memref<1000000xf32, #tpu.memory_space<hbm>> -> memref<1000000xf32, #tpu.memory_space<hbm>>
      tpu.enqueue_indirect_dma source(%dma_start3A_25 : memref<1000000xf32, #tpu.memory_space<hbm>>) target(%dma_start3A_22 : memref<128xf32, #tpu.memory_space<vmem>>) offsets(%dma_start3A_23 : memref<128xi32, #tpu.memory_space<vmem>>) semaphore(%arg11 : memref<!tpu.dma_semaphore, #tpu.memory_space<semaphore_mem>>)
    }
    %scan3A_7 = arith.constant 40 : i32
    %scan3A_8 = arith.constant 0 : i32
    %scan3A_9 = arith.constant 0 : i32
    %scan3A_10 = arith.constant 40 : i32
    %scan3A_11 = arith.addi %scan3A_9, %scan3A_10 : i32
    %scan3A_12 = arith.constant 1 : i32
    scf.for %scan3A_14 = %scan3A_9 to %scan3A_11 step %scan3A_12  : i32 {
      %mul3A_15 = arith.constant 128 : i32
      %mul3A_16 = arith.muli %scan3A_14, %mul3A_15 : i32
      %dma_wait3A = arith.constant 0 : i32
      %dma_wait3A_17 = tpu.memref_slice %arg8[%mul3A_16, %dma_wait3A] : memref<5120x16xf32, #tpu.memory_space<vmem>> -> memref<128x16xf32, #tpu.memory_space<vmem>>
      %dma_wait3A_18 = tpu.memref_slice %arg7[%mul3A_16] : memref<5120xi32, #tpu.memory_space<vmem>> -> memref<128xi32, #tpu.memory_space<vmem>>
      %dma_wait3A_19 = arith.constant 0 : i32
      %dma_wait3A_20 = arith.constant 0 : i32
      %dma_wait3A_21 = tpu.memref_slice %arg2[%dma_wait3A_19, %dma_wait3A_20] : memref<1000000x16xf32, #tpu.memory_space<hbm>> -> memref<1000000x16xf32, #tpu.memory_space<hbm>>
      tpu.wait_indirect_dma semaphore(%arg10 : memref<!tpu.dma_semaphore, #tpu.memory_space<semaphore_mem>>) src(%dma_wait3A_21 : memref<1000000x16xf32, #tpu.memory_space<hbm>>) dst(%dma_wait3A_17 : memref<128x16xf32, #tpu.memory_space<vmem>>)
      %dma_wait3A_22 = tpu.memref_slice %arg9[%mul3A_16] : memref<5120xf32, #tpu.memory_space<vmem>> -> memref<128xf32, #tpu.memory_space<vmem>>
      %dma_wait3A_23 = tpu.memref_slice %arg7[%mul3A_16] : memref<5120xi32, #tpu.memory_space<vmem>> -> memref<128xi32, #tpu.memory_space<vmem>>
      %dma_wait3A_24 = arith.constant 0 : i32
      %dma_wait3A_25 = tpu.memref_slice %arg3[%dma_wait3A_24] : memref<1000000xf32, #tpu.memory_space<hbm>> -> memref<1000000xf32, #tpu.memory_space<hbm>>
      tpu.wait_indirect_dma semaphore(%arg11 : memref<!tpu.dma_semaphore, #tpu.memory_space<semaphore_mem>>) src(%dma_wait3A_25 : memref<1000000xf32, #tpu.memory_space<hbm>>) dst(%dma_wait3A_22 : memref<128xf32, #tpu.memory_space<vmem>>)
    }
    %scan3A_13 = arith.constant 40 : i32
    "tpu.region"() ({
      %run_scoped3A = tpu.sem_alloc : memref<!tpu.dma_semaphore, #tpu.memory_space<semaphore_mem>>
      %dma_start3A = arith.constant 0 : i32
      %dma_start3A_14 = tpu.memref_slice %arg5[%mul3A_2, %dma_start3A] : memref<163840x16xf32, #tpu.memory_space<hbm>> -> memref<5120x16xf32, #tpu.memory_space<hbm>>
      %dma_start3A_15 = arith.constant 0 : i32
      %dma_start3A_16 = tpu.memref_slice %arg5[%mul3A_2, %dma_start3A_15] : memref<163840x16xf32, #tpu.memory_space<hbm>> -> memref<5120x16xf32, #tpu.memory_space<hbm>>
      tpu.enqueue_dma source(%arg8 : memref<5120x16xf32, #tpu.memory_space<vmem>>) target(%dma_start3A_16 : memref<5120x16xf32, #tpu.memory_space<hbm>>) target_semaphore(%run_scoped3A : memref<!tpu.dma_semaphore, #tpu.memory_space<semaphore_mem>>)
      %dma_wait3A = arith.constant 0 : i32
      %dma_wait3A_17 = tpu.memref_slice %arg5[%mul3A_2, %dma_wait3A] : memref<163840x16xf32, #tpu.memory_space<hbm>> -> memref<5120x16xf32, #tpu.memory_space<hbm>>
      %dma_wait3A_18 = arith.constant 0 : i32
      %dma_wait3A_19 = tpu.memref_slice %arg5[%mul3A_2, %dma_wait3A_18] : memref<163840x16xf32, #tpu.memory_space<hbm>> -> memref<5120x16xf32, #tpu.memory_space<hbm>>
      tpu.wait_dma2 semaphore(%run_scoped3A : memref<!tpu.dma_semaphore, #tpu.memory_space<semaphore_mem>>) src(%arg8 : memref<5120x16xf32, #tpu.memory_space<vmem>>) dst(%dma_wait3A_19 : memref<5120x16xf32, #tpu.memory_space<hbm>>)
      tpu.yield
    }) : () -> ()
    "tpu.region"() ({
      %run_scoped3A = tpu.sem_alloc : memref<!tpu.dma_semaphore, #tpu.memory_space<semaphore_mem>>
      %dma_start3A = tpu.memref_slice %arg6[%mul3A_2] : memref<163840xf32, #tpu.memory_space<hbm>> -> memref<5120xf32, #tpu.memory_space<hbm>>
      %dma_start3A_14 = tpu.memref_slice %arg6[%mul3A_2] : memref<163840xf32, #tpu.memory_space<hbm>> -> memref<5120xf32, #tpu.memory_space<hbm>>
      tpu.enqueue_dma source(%arg9 : memref<5120xf32, #tpu.memory_space<vmem>>) target(%dma_start3A_14 : memref<5120xf32, #tpu.memory_space<hbm>>) target_semaphore(%run_scoped3A : memref<!tpu.dma_semaphore, #tpu.memory_space<semaphore_mem>>)
      %dma_wait3A = tpu.memref_slice %arg6[%mul3A_2] : memref<163840xf32, #tpu.memory_space<hbm>> -> memref<5120xf32, #tpu.memory_space<hbm>>
      %dma_wait3A_15 = tpu.memref_slice %arg6[%mul3A_2] : memref<163840xf32, #tpu.memory_space<hbm>> -> memref<5120xf32, #tpu.memory_space<hbm>>
      tpu.wait_dma2 semaphore(%run_scoped3A : memref<!tpu.dma_semaphore, #tpu.memory_space<semaphore_mem>>) src(%arg9 : memref<5120xf32, #tpu.memory_space<vmem>>) dst(%dma_wait3A_15 : memref<5120xf32, #tpu.memory_space<hbm>>)
      tpu.yield
    }) : () -> ()
    return
  }
}

module attributes {stable_mosaic.version = 14 : i64} {
  func.func @_tc_transpose(%arg0: i32, %arg1: memref<16x3200xf32, #tpu.memory_space<vmem>>, %arg2: memref<400x128xf32, #tpu.memory_space<vmem>>) attributes {dimension_semantics = [#tpu.dimension_semantics<arbitrary>], iteration_bounds = array<i64: 312>, scalar_prefetch = 0 : i64, scratch_operands = 0 : i64, tpu.core_type = #tpu.core_type<tc>, window_params = [{transform_indices = @transform_0, window_bounds = array<i64: 16, 3200>}, {transform_indices = @transform_1, window_bounds = array<i64: 400, 128>}]} {
    %get3A = arith.constant 0 : index
    %get3A_0 = arith.constant 0 : index
    %get3A_1 = vector.load %arg1[%get3A, %get3A_0] : memref<16x3200xf32, #tpu.memory_space<vmem>>, vector<16x3200xf32>
    %transpose3A = tpu.transpose %get3A_1, [1, 0] : vector<16x3200xf32> -> vector<3200x16xf32>
    %reshape3A = vector.shape_cast %transpose3A : vector<3200x16xf32> to vector<400x8x16xf32>
    %slice3A = vector.extract_strided_slice %reshape3A {offsets = [0, 0, 0], sizes = [400, 1, 16], strides = [1, 1, 1]} : vector<400x8x16xf32> to vector<400x1x16xf32>
    %squeeze3A = vector.shape_cast %slice3A : vector<400x1x16xf32> to vector<400x16xf32>
    %slice3A_2 = vector.extract_strided_slice %reshape3A {offsets = [0, 1, 0], sizes = [400, 1, 16], strides = [1, 1, 1]} : vector<400x8x16xf32> to vector<400x1x16xf32>
    %squeeze3A_3 = vector.shape_cast %slice3A_2 : vector<400x1x16xf32> to vector<400x16xf32>
    %slice3A_4 = vector.extract_strided_slice %reshape3A {offsets = [0, 2, 0], sizes = [400, 1, 16], strides = [1, 1, 1]} : vector<400x8x16xf32> to vector<400x1x16xf32>
    %squeeze3A_5 = vector.shape_cast %slice3A_4 : vector<400x1x16xf32> to vector<400x16xf32>
    %slice3A_6 = vector.extract_strided_slice %reshape3A {offsets = [0, 3, 0], sizes = [400, 1, 16], strides = [1, 1, 1]} : vector<400x8x16xf32> to vector<400x1x16xf32>
    %squeeze3A_7 = vector.shape_cast %slice3A_6 : vector<400x1x16xf32> to vector<400x16xf32>
    %slice3A_8 = vector.extract_strided_slice %reshape3A {offsets = [0, 4, 0], sizes = [400, 1, 16], strides = [1, 1, 1]} : vector<400x8x16xf32> to vector<400x1x16xf32>
    %squeeze3A_9 = vector.shape_cast %slice3A_8 : vector<400x1x16xf32> to vector<400x16xf32>
    %slice3A_10 = vector.extract_strided_slice %reshape3A {offsets = [0, 5, 0], sizes = [400, 1, 16], strides = [1, 1, 1]} : vector<400x8x16xf32> to vector<400x1x16xf32>
    %squeeze3A_11 = vector.shape_cast %slice3A_10 : vector<400x1x16xf32> to vector<400x16xf32>
    %slice3A_12 = vector.extract_strided_slice %reshape3A {offsets = [0, 6, 0], sizes = [400, 1, 16], strides = [1, 1, 1]} : vector<400x8x16xf32> to vector<400x1x16xf32>
    %squeeze3A_13 = vector.shape_cast %slice3A_12 : vector<400x1x16xf32> to vector<400x16xf32>
    %slice3A_14 = vector.extract_strided_slice %reshape3A {offsets = [0, 7, 0], sizes = [400, 1, 16], strides = [1, 1, 1]} : vector<400x8x16xf32> to vector<400x1x16xf32>
    %squeeze3A_15 = vector.shape_cast %slice3A_14 : vector<400x1x16xf32> to vector<400x16xf32>
    %concatenate3A = tpu.concatenate %squeeze3A, %squeeze3A_3, %squeeze3A_5, %squeeze3A_7, %squeeze3A_9, %squeeze3A_11, %squeeze3A_13, %squeeze3A_15 in 1 : vector<400x16xf32>, vector<400x16xf32>, vector<400x16xf32>, vector<400x16xf32>, vector<400x16xf32>, vector<400x16xf32>, vector<400x16xf32>, vector<400x16xf32> -> vector<400x128xf32>
    %swap3A = arith.constant 0 : index
    %swap3A_16 = arith.constant 0 : index
    %swap3A_17 = vector.load %arg2[%swap3A, %swap3A_16] : memref<400x128xf32, #tpu.memory_space<vmem>>, vector<400x128xf32>
    tpu.vector_store %arg2[%swap3A, %swap3A_16], %concatenate3A {strides = array<i32>} : memref<400x128xf32, #tpu.memory_space<vmem>>, vector<400x128xf32>,
    return
  }
  func.func @transform_0(%arg0: i32) -> (i32, i32) {
    %c0_i32 = arith.constant 0 : i32
    %c0_i32_0 = arith.constant 0 : i32
    return %c0_i32, %arg0 : i32, i32
  }
  func.func @transform_1(%arg0: i32) -> (i32, i32) {
    %c0_i32 = arith.constant 0 : i32
    %c0_i32_0 = arith.constant 0 : i32
    return %arg0, %c0_i32 : i32, i32
  }
}

module attributes {stable_mosaic.version = 14 : i64} {
  func.func @_tc_dense(%arg0: i32, %arg1: memref<2048x160xf32, #tpu.memory_space<vmem>>, %arg2: memref<2048x10xf32, #tpu.memory_space<vmem>>, %arg3: memref<2048x18xf32, #tpu.memory_space<vmem>>, %arg4: memref<1xf32, #tpu.memory_space<smem>>, %arg5: memref<18x16xf32, #tpu.memory_space<vmem>>, %arg6: memref<176x128xf32, #tpu.memory_space<vmem>>, %arg7: memref<128xf32, #tpu.memory_space<vmem>>, %arg8: memref<128x64xf32, #tpu.memory_space<vmem>>, %arg9: memref<64xf32, #tpu.memory_space<vmem>>, %arg10: memref<64x1xf32, #tpu.memory_space<vmem>>, %arg11: memref<1xf32, #tpu.memory_space<smem>>, %arg12: memref<2048xf32, #tpu.memory_space<vmem>>) attributes {dimension_semantics = [#tpu.dimension_semantics<arbitrary>], iteration_bounds = array<i64: 8>, scalar_prefetch = 0 : i64, scratch_operands = 0 : i64, tpu.core_type = #tpu.core_type<tc>, window_params = [{transform_indices = @transform_0, window_bounds = array<i64: 2048, 160>}, {transform_indices = @transform_1, window_bounds = array<i64: 2048, 10>}, {transform_indices = @transform_2, window_bounds = array<i64: 2048, 18>}, {transform_indices = @transform_3, window_bounds = array<i64: 1>}, {pipeline_mode = #tpu.pipeline_mode<synchronous>, transform_indices = @transform_4, window_bounds = array<i64: 18, 16>}, {pipeline_mode = #tpu.pipeline_mode<synchronous>, transform_indices = @transform_5, window_bounds = array<i64: 176, 128>}, {pipeline_mode = #tpu.pipeline_mode<synchronous>, transform_indices = @transform_6, window_bounds = array<i64: 128>}, {pipeline_mode = #tpu.pipeline_mode<synchronous>, transform_indices = @transform_7, window_bounds = array<i64: 128, 64>}, {pipeline_mode = #tpu.pipeline_mode<synchronous>, transform_indices = @transform_8, window_bounds = array<i64: 64>}, {pipeline_mode = #tpu.pipeline_mode<synchronous>, transform_indices = @transform_9, window_bounds = array<i64: 64, 1>}, {transform_indices = @transform_10, window_bounds = array<i64: 1>}, {transform_indices = @transform_11, window_bounds = array<i64: 2048>}]} {
    %get3A = arith.constant 0 : index
    %get3A_0 = arith.constant 0 : index
    %get3A_1 = vector.load %arg1[%get3A, %get3A_0] : memref<2048x160xf32, #tpu.memory_space<vmem>>, vector<2048x160xf32>
    %get3A_2 = arith.constant 0 : index
    %get3A_3 = arith.constant 0 : index
    %get3A_4 = vector.load %arg3[%get3A_2, %get3A_3] : memref<2048x18xf32, #tpu.memory_space<vmem>>, vector<2048x18xf32>
    %get3A_5 = arith.constant 0 : index
    %get3A_6 = arith.constant 0 : index
    %get3A_7 = vector.load %arg5[%get3A_5, %get3A_6] : memref<18x16xf32, #tpu.memory_space<vmem>>, vector<18x16xf32>
    %dot_general3A = arith.constant dense<0.000000e+00> : vector<2048x16xf32>
    %dot_general3A_8 = tpu.matmul %get3A_4, %get3A_7, %dot_general3A {dimension_numbers = #tpu.dot_dimension_numbers<[1], [0], [0], [1], [0, 0, 1, 1], [], []>, transpose_lhs_hint = false} : vector<2048x18xf32>, vector<18x16xf32>, vector<2048x16xf32> -> vector<2048x16xf32>
    %iota3A = tpu.iota {dimensions = array<i32: 0>} : vector<160x16xi32>
    %jit3A = arith.constant 16 : i32
    %eq3A = arith.constant 0 : i32
    %eq3A_9 = arith.cmpi eq, %jit3A, %eq3A : i32
    %jit3A_10 = arith.constant 1 : i32
    %select_n3A = arith.select %eq3A_9, %jit3A_10, %jit3A : i32
    %rem3A = vector.broadcast %select_n3A : i32 to vector<160x16xi32>
    %rem3A_11 = arith.remsi %iota3A, %rem3A : vector<160x16xi32>
    %ne3A = arith.constant 0 : i32
    %ne3A_12 = vector.broadcast %ne3A : i32 to vector<160x16xi32>
    %ne3A_13 = arith.cmpi ne, %rem3A_11, %ne3A_12 : vector<160x16xi32>
    %lt3A = arith.constant 0 : i32
    %lt3A_14 = vector.broadcast %lt3A : i32 to vector<160x16xi32>
    %lt3A_15 = arith.cmpi slt, %rem3A_11, %lt3A_14 : vector<160x16xi32>
    %lt3A_16 = arith.constant 0 : i32
    %lt3A_17 = arith.cmpi slt, %select_n3A, %lt3A_16 : i32
    %ne3A_18 = vector.broadcast %lt3A_17 : i1 to vector<160x16xi1>
    %ne3A_19 = vector.broadcast %ne3A_18 : vector<160x16xi1> to vector<160x16xi1>
    %ne3A_20 = arith.xori %lt3A_15, %ne3A_19 : vector<160x16xi1>
    %and3A = arith.andi %ne3A_20, %ne3A_13 : vector<160x16xi1>
    %add3A = vector.broadcast %select_n3A : i32 to vector<160x16xi32>
    %add3A_21 = arith.addi %rem3A_11, %add3A : vector<160x16xi32>
    %select_n3A_22 = arith.select %and3A, %add3A_21, %rem3A_11 : vector<160x16xi1>, vector<160x16xi32>
    %iota3A_23 = tpu.iota {dimensions = array<i32: 1>} : vector<160x16xi32>
    %eq3A_24 = arith.cmpi eq, %select_n3A_22, %iota3A_23 : vector<160x16xi32>
    %convert_element_type3A = arith.extui %eq3A_24 : vector<160x16xi1> to vector<160x16xi32>
    %convert_element_type3A_25 = arith.sitofp %convert_element_type3A : vector<160x16xi32> to vector<160x16xf32>
    %dot_general3A_26 = arith.constant dense<0.000000e+00> : vector<2048x16xf32>
    %dot_general3A_27 = tpu.matmul %get3A_1, %convert_element_type3A_25, %dot_general3A_26 {dimension_numbers = #tpu.dot_dimension_numbers<[1], [0], [0], [1], [0, 0, 1, 1], [], []>, precision = #tpu.contract_precision<fp32>, transpose_lhs_hint = false} : vector<2048x160xf32>, vector<160x16xf32>, vector<2048x16xf32> -> vector<2048x16xf32>
    %mul3A = arith.mulf %get3A_1, %get3A_1 : vector<2048x160xf32>
    %dot_general3A_28 = arith.constant dense<0.000000e+00> : vector<2048x16xf32>
    %dot_general3A_29 = tpu.matmul %mul3A, %convert_element_type3A_25, %dot_general3A_28 {dimension_numbers = #tpu.dot_dimension_numbers<[1], [0], [0], [1], [0, 0, 1, 1], [], []>, precision = #tpu.contract_precision<fp32>, transpose_lhs_hint = false} : vector<2048x160xf32>, vector<160x16xf32>, vector<2048x16xf32> -> vector<2048x16xf32>
    %add3A_30 = arith.addf %dot_general3A_27, %dot_general3A_8 : vector<2048x16xf32>
    %mul3A_31 = arith.mulf %dot_general3A_8, %dot_general3A_8 : vector<2048x16xf32>
    %add3A_32 = arith.addf %dot_general3A_29, %mul3A_31 : vector<2048x16xf32>
    %mul3A_33 = arith.mulf %add3A_30, %add3A_30 : vector<2048x16xf32>
    %sub3A = arith.subf %mul3A_33, %add3A_32 : vector<2048x16xf32>
    %reduce_sum3A = arith.constant dense<0.000000e+00> : vector<2048xf32>
    %reduce_sum3A_34 = vector.multi_reduction <add>, %sub3A, %reduce_sum3A [1] : vector<2048x16xf32> to vector<2048xf32>
    %mul3A_35 = arith.constant 5.000000e-01 : f32
    %mul3A_36 = vector.broadcast %mul3A_35 : f32 to vector<2048xf32>
    %mul3A_37 = arith.mulf %mul3A_36, %reduce_sum3A_34 : vector<2048xf32>
    %get3A_38 = arith.constant 0 : index
    %get3A_39 = memref.load %arg4[%get3A_38] : memref<1xf32, #tpu.memory_space<smem>>
    %get3A_40 = arith.constant 0 : index
    %get3A_41 = arith.constant 0 : index
    %get3A_42 = vector.load %arg2[%get3A_40, %get3A_41] : memref<2048x10xf32, #tpu.memory_space<vmem>>, vector<2048x10xf32>
    %reduce_sum3A_43 = arith.constant dense<0.000000e+00> : vector<2048xf32>
    %reduce_sum3A_44 = vector.multi_reduction <add>, %get3A_42, %reduce_sum3A_43 [1] : vector<2048x10xf32> to vector<2048xf32>
    %add3A_45 = vector.broadcast %get3A_39 : f32 to vector<2048xf32>
    %add3A_46 = arith.addf %add3A_45, %reduce_sum3A_44 : vector<2048xf32>
    %reduce_sum3A_47 = arith.constant dense<0.000000e+00> : vector<2048xf32>
    %reduce_sum3A_48 = vector.multi_reduction <add>, %dot_general3A_8, %reduce_sum3A_47 [1] : vector<2048x16xf32> to vector<2048xf32>
    %add3A_49 = arith.addf %add3A_46, %reduce_sum3A_48 : vector<2048xf32>
    %concatenate3A = tpu.concatenate %get3A_1, %dot_general3A_8 in 1 : vector<2048x160xf32>, vector<2048x16xf32> -> vector<2048x176xf32>
    %get3A_50 = arith.constant 0 : index
    %get3A_51 = arith.constant 0 : index
    %get3A_52 = vector.load %arg6[%get3A_50, %get3A_51] : memref<176x128xf32, #tpu.memory_space<vmem>>, vector<176x128xf32>
    %dot_general3A_53 = arith.constant dense<0.000000e+00> : vector<2048x128xf32>
    %dot_general3A_54 = tpu.matmul %concatenate3A, %get3A_52, %dot_general3A_53 {dimension_numbers = #tpu.dot_dimension_numbers<[1], [0], [0], [1], [0, 0, 1, 1], [], []>, transpose_lhs_hint = false} : vector<2048x176xf32>, vector<176x128xf32>, vector<2048x128xf32> -> vector<2048x128xf32>
    %get3A_55 = arith.constant 0 : index
    %get3A_56 = vector.load %arg7[%get3A_55] : memref<128xf32, #tpu.memory_space<vmem>>, vector<128xf32>
    %broadcast_in_dim3A = vector.shape_cast %get3A_56 : vector<128xf32> to vector<1x128xf32>
    %add3A_57 = vector.broadcast %broadcast_in_dim3A : vector<1x128xf32> to vector<2048x128xf32>
    %add3A_58 = arith.addf %dot_general3A_54, %add3A_57 : vector<2048x128xf32>
    %max3A = arith.constant 0.000000e+00 : f32
    %max3A_59 = vector.broadcast %max3A : f32 to vector<2048x128xf32>
    %max3A_60 = arith.maximumf %add3A_58, %max3A_59 : vector<2048x128xf32>
    %get3A_61 = arith.constant 0 : index
    %get3A_62 = arith.constant 0 : index
    %get3A_63 = vector.load %arg8[%get3A_61, %get3A_62] : memref<128x64xf32, #tpu.memory_space<vmem>>, vector<128x64xf32>
    %dot_general3A_64 = arith.constant dense<0.000000e+00> : vector<2048x64xf32>
    %dot_general3A_65 = tpu.matmul %max3A_60, %get3A_63, %dot_general3A_64 {dimension_numbers = #tpu.dot_dimension_numbers<[1], [0], [0], [1], [0, 0, 1, 1], [], []>, transpose_lhs_hint = false} : vector<2048x128xf32>, vector<128x64xf32>, vector<2048x64xf32> -> vector<2048x64xf32>
    %get3A_66 = arith.constant 0 : index
    %get3A_67 = vector.load %arg9[%get3A_66] : memref<64xf32, #tpu.memory_space<vmem>>, vector<64xf32>
    %broadcast_in_dim3A_68 = vector.shape_cast %get3A_67 : vector<64xf32> to vector<1x64xf32>
    %add3A_69 = vector.broadcast %broadcast_in_dim3A_68 : vector<1x64xf32> to vector<2048x64xf32>
    %add3A_70 = arith.addf %dot_general3A_65, %add3A_69 : vector<2048x64xf32>
    %max3A_71 = arith.constant 0.000000e+00 : f32
    %max3A_72 = vector.broadcast %max3A_71 : f32 to vector<2048x64xf32>
    %max3A_73 = arith.maximumf %add3A_70, %max3A_72 : vector<2048x64xf32>
    %get3A_74 = arith.constant 0 : index
    %get3A_75 = arith.constant 0 : index
    %get3A_76 = vector.load %arg10[%get3A_74, %get3A_75] : memref<64x1xf32, #tpu.memory_space<vmem>>, vector<64x1xf32>
    %dot_general3A_77 = arith.constant dense<0.000000e+00> : vector<2048x1xf32>
    %dot_general3A_78 = tpu.matmul %max3A_73, %get3A_76, %dot_general3A_77 {dimension_numbers = #tpu.dot_dimension_numbers<[1], [0], [0], [1], [0, 0, 1, 1], [], []>, transpose_lhs_hint = false} : vector<2048x64xf32>, vector<64x1xf32>, vector<2048x1xf32> -> vector<2048x1xf32>
    %squeeze3A = vector.shape_cast %dot_general3A_78 : vector<2048x1xf32> to vector<2048xf32>
    %get3A_79 = arith.constant 0 : index
    %get3A_80 = memref.load %arg11[%get3A_79] : memref<1xf32, #tpu.memory_space<smem>>
    %add3A_81 = vector.broadcast %get3A_80 : f32 to vector<2048xf32>
    %add3A_82 = arith.addf %squeeze3A, %add3A_81 : vector<2048xf32>
    %add3A_83 = arith.addf %add3A_49, %mul3A_37 : vector<2048xf32>
    %add3A_84 = arith.addf %add3A_83, %add3A_82 : vector<2048xf32>
    %logistic3A = arith.negf %add3A_84 : vector<2048xf32>
    %logistic3A_85 = math.exp %logistic3A : vector<2048xf32>
    %logistic3A_86 = arith.constant 1.000000e+00 : f32
    %logistic3A_87 = vector.broadcast %logistic3A_86 : f32 to vector<2048xf32>
    %logistic3A_88 = arith.addf %logistic3A_87, %logistic3A_85 : vector<2048xf32>
    %logistic3A_89 = arith.divf %logistic3A_87, %logistic3A_88 : vector<2048xf32>
    %swap3A = arith.constant 0 : index
    %swap3A_90 = vector.load %arg12[%swap3A] : memref<2048xf32, #tpu.memory_space<vmem>>, vector<2048xf32>
    tpu.vector_store %arg12[%swap3A], %logistic3A_89 {strides = array<i32>} : memref<2048xf32, #tpu.memory_space<vmem>>, vector<2048xf32>,
    return
  }
  func.func @transform_0(%arg0: i32) -> (i32, i32) {
    %c0_i32 = arith.constant 0 : i32
    %c0_i32_0 = arith.constant 0 : i32
    return %arg0, %c0_i32 : i32, i32
  }
  func.func @transform_1(%arg0: i32) -> (i32, i32) {
    %c0_i32 = arith.constant 0 : i32
    %c0_i32_0 = arith.constant 0 : i32
    return %arg0, %c0_i32 : i32, i32
  }
  func.func @transform_2(%arg0: i32) -> (i32, i32) {
    %c0_i32 = arith.constant 0 : i32
    %c0_i32_0 = arith.constant 0 : i32
    return %arg0, %c0_i32 : i32, i32
  }
  func.func @transform_3(%arg0: i32) -> i32 {
    %c0_i32 = arith.constant 0 : i32
    %c0_i32_0 = arith.constant 0 : i32
    return %c0_i32 : i32
  }
  func.func @transform_4(%arg0: i32) -> (i32, i32) {
    %c0_i32 = arith.constant 0 : i32
    %c0_i32_0 = arith.constant 0 : i32
    %c0_i32_1 = arith.constant 0 : i32
    return %c0_i32, %c0_i32_0 : i32, i32
  }
  func.func @transform_5(%arg0: i32) -> (i32, i32) {
    %c0_i32 = arith.constant 0 : i32
    %c0_i32_0 = arith.constant 0 : i32
    %c0_i32_1 = arith.constant 0 : i32
    return %c0_i32, %c0_i32_0 : i32, i32
  }
  func.func @transform_6(%arg0: i32) -> i32 {
    %c0_i32 = arith.constant 0 : i32
    %c0_i32_0 = arith.constant 0 : i32
    return %c0_i32 : i32
  }
  func.func @transform_7(%arg0: i32) -> (i32, i32) {
    %c0_i32 = arith.constant 0 : i32
    %c0_i32_0 = arith.constant 0 : i32
    %c0_i32_1 = arith.constant 0 : i32
    return %c0_i32, %c0_i32_0 : i32, i32
  }
  func.func @transform_8(%arg0: i32) -> i32 {
    %c0_i32 = arith.constant 0 : i32
    %c0_i32_0 = arith.constant 0 : i32
    return %c0_i32 : i32
  }
  func.func @transform_9(%arg0: i32) -> (i32, i32) {
    %c0_i32 = arith.constant 0 : i32
    %c0_i32_0 = arith.constant 0 : i32
    %c0_i32_1 = arith.constant 0 : i32
    return %c0_i32, %c0_i32_0 : i32, i32
  }
  func.func @transform_10(%arg0: i32) -> i32 {
    %c0_i32 = arith.constant 0 : i32
    %c0_i32_0 = arith.constant 0 : i32
    return %c0_i32 : i32
  }
  func.func @transform_11(%arg0: i32) -> i32 {
    %c0_i32 = arith.constant 0 : i32
    return %arg0 : i32
  }
}

</mosaic_0001>

<sc_bundles>
// kernel: kernel.5.cloned.1.call-start
scs
__scs_entry_jumppad:
0x0: {  	(pc) =	sbr.rel $0x88, $3  }
0x1: {  	(tag) =	ssettag $0x0;
	lr =	simm.s32 $0x1  }
0x2: {  	[smem:$0x3F96] =	sst lr;
	_ =	strace $0xD0000000  }
0x3: {  	_ = 	snop  }
0x4: {  	_ = 	snop  }
0x5: {  	_ = 	snop  }
0x6: {  	_ = 	snop  }
0x7: {  	_ = 	snop  }
__scs_overlays_trampoline_lowered:
0x8: {  	[smem:$0x3FA5] =	sst s0  }
0x9: {  	[smem:$0x3FA6] =	sst s1  }
0xa: {  	[smem:$0x3FA7] =	sst s2  }
0xb: {  	[smem:$0x3FA8] =	sst s3  }
0xc: {  	[smem:$0x3FA9] =	sst s4  }
0xd: {  	[smem:$0x3FAA] =	sst s5  }
0xe: {  	[smem:$0x3FAB] =	sst s6  }
0xf: {  	[smem:$0x3FAC] =	sst s7  }
0x10: {  	[smem:$0x3FAD] =	sst s8  }
0x11: {  	[smem:$0x3FAE] =	sst s9;
	s0 =	simm.s32 @!p0 $0x0  }
0x12: {  	s1 =	sld [smem:$0x3F94];
	s0 =	simm.s32 @p0 $0x1  }
0x13: {  	[smem:$0x3FAF] =	sst s0;
	s0 =	simm.s32 @!p1 $0x0  }
0x14: {  	s2 =	sld [smem:$0x3F93];
	s0 =	simm.s32 @p1 $0x1  }
0x15: {  	[smem:$0x3FB0] =	sst s0;
	s0 =	simm.s32 @!p2 $0x0  }
0x16: {  	s3 =	sld [smem:$0x3FDB];
	s0 =	simm.s32 @p2 $0x1  }
0x17: {  	s4 =	simm.s32 $0x1BF5;
	[smem:$0x3FB2] =	sst s0  }
0x18: {  	s0 =	sld [smem:$0x3F95];
	_ =	swait.ge [sflag:s4], $0x0  }
0x19: {  	s7 =	sld [smem:$0x3F96]  }
0x1a: {  	s8 =	sadd.s32 $0xFFFFE003, lr  }
0x1b: {  	s9 =	sadd.s32 $0xFFFFFEF7, lr;
	s5 =	simm.s32 $0xFFFFFFFF;
	p2 =	slt.u32 s8, $0xFFFFF086  }
0x1c: {  	p1 =	slt.u32 s9, $0xF7A;
	s5 =	simm.s32 @!p2 $0x0  }
0x1d: {  	s5 =	simm.s32 @p1 $0x1;
	p0 =	seq.s32 s7, s2  }
0x1e: {  	s7 =	smul.u32 @!p0 $0xF7A, s2;
	p2 =	seq.s32 @!p0 s5, $0x0  }
0x1f: {  	s9 =	smul.u32 $0xF7A, s1;
	s8 =	simm.s32 @!p0 $0x1BF5;
	p2 =	por !p2, p0  }
0x20: {  	[sflag:s8] =	ssyncset.s32 @!p0 $0xFFFFF086;
	s6 =	sadd.s32 @!p0 s3, s7;
	s7 =	simm.s32 @!p0 $0x108  }
0x21: {  	s3 =	sadd.s32 s3, s9;
	s6 =	sadd.s32 @!p0 $0x88, s6;
	s7 =	simm.s32 @p2 $0x1082  }
0x22: {  	[simem:s7], [sflag:s8] =	dma.local @!p0 [hbm:s6], $0xF7A  }
0x23: {  	s9 =	sor.u32 $0xD0000000, s2;
	s6 =	simm.s32 $0x108;
	_ =	swait.ge @!p0 [sflag:s8], $0x0  }
0x24: {  	s3 =	sadd.s32 $0x88, s3;
	s6 =	simm.s32 @!p1 $0x1082;
	[sflag:s4] =	ssyncset.s32 $0xFFFFF086  }
0x25: {  	[simem:s6], [sflag:s4] =	dma.local [hbm:s3], $0xF7A  }
0x26: {  	[smem:$0x3F96] =	sst s1;
	(tag) =	ssettag s2;
	_ =	strace s9  }
0x27: {  	s1 =	sld [smem:$0x3FA6]  }
0x28: {  	s2 =	sld [smem:$0x3FA7]  }
0x29: {  	s4 =	sld [smem:$0x3FA9]  }
0x2a: {  	p0 =	seq.s32 s5, $0x0;
	s5 =	sld [smem:$0x3FAA]  }
0x2b: {  	s6 =	sld [smem:$0x3FAB]  }
0x2c: {  	s7 =	sld [smem:$0x3FAC]  }
0x2d: {  	s3 =	simm.s32 $0x108;
	s8 =	sld [smem:$0x3FAD]  }
0x2e: {  	s3 =	simm.s32 @!p0 $0x1082;
	s9 =	sld [smem:$0x3FAE]  }
0x2f: {  	lr =	sadd.s32 s0, s3;
	s0 =	sld [smem:$0x3FA5]  }
0x30: {  	s3 =	sld [smem:$0x3FA8]  }
0x31: {  	[smem:$0x3FB1] =	sst s10  }
0x32: {  	s10 =	sld [smem:$0x3FAF];
	_ =	sdelay $0x3  }
0x33: {  	p0 =	seq.s32 s10, $0x1;
	s10 =	sld [smem:$0x3FB1];
	_ =	sdelay $0x3  }
0x34: {  	[smem:$0x3FB1] =	sst s10  }
0x35: {  	s10 =	sld [smem:$0x3FB0];
	_ =	sdelay $0x3  }
0x36: {  	p1 =	seq.s32 s10, $0x1;
	s10 =	sld [smem:$0x3FB1];
	_ =	sdelay $0x3  }
0x37: {  	[smem:$0x3FB1] =	sst s10  }
0x38: {  	s10 =	sld [smem:$0x3FB2]  }
0x39: {  	_ = 	snop;
	(pc) =	sbr.ind lr, $3  }
0x3a: {  	_ = 	snop  }
0x3b: {  	_ = 	snop  }
0x3c: {  	p2 =	seq.s32 s10, $0x1;
	s10 =	sld [smem:$0x3FB1]  }
0x3d: {  	_ =	shalt  }
0x3e: {  	_ =	shalt  }
0x3f: {  	_ =	shalt  }
0x40: {  	_ =	shalt  }
0x41: {  	_ =	shalt  }
0x42: {  	_ =	shalt  }
0x43: {  	_ =	shalt  }
0x44: {  	_ =	shalt  }
0x45: {  	_ =	shalt  }
0x46: {  	_ =	shalt  }
0x47: {  	_ =	shalt  }
0x48: {  	_ =	shalt  }
0x49: {  	_ =	shalt  }
0x4a: {  	_ =	shalt  }
0x4b: {  	_ =	shalt  }
0x4c: {  	_ =	shalt  }
0x4d: {  	_ =	shalt  }
0x4e: {  	_ =	shalt  }
0x4f: {  	_ =	shalt  }
0x50: {  	_ =	shalt  }
0x51: {  	_ =	shalt  }
0x52: {  	_ =	shalt  }
0x53: {  	_ =	shalt  }
0x54: {  	_ =	shalt  }
0x55: {  	_ =	shalt  }
0x56: {  	_ =	shalt  }
0x57: {  	_ =	shalt  }
0x58: {  	_ =	shalt  }
0x59: {  	_ =	shalt  }
0x5a: {  	_ =	shalt  }
0x5b: {  	_ =	shalt  }
0x5c: {  	_ =	shalt  }
0x5d: {  	_ =	shalt  }
0x5e: {  	_ =	shalt  }
0x5f: {  	_ =	shalt  }
0x60: {  	_ =	shalt  }
0x61: {  	_ =	shalt  }
0x62: {  	_ =	shalt  }
0x63: {  	_ =	shalt  }
0x64: {  	_ =	shalt  }
0x65: {  	_ =	shalt  }
0x66: {  	_ =	shalt  }
0x67: {  	_ =	shalt  }
0x68: {  	_ =	shalt  }
0x69: {  	_ =	shalt  }
0x6a: {  	_ =	shalt  }
0x6b: {  	_ =	shalt  }
0x6c: {  	_ =	shalt  }
0x6d: {  	_ =	shalt  }
0x6e: {  	_ =	shalt  }
0x6f: {  	_ =	shalt  }
0x70: {  	_ =	shalt  }
0x71: {  	_ =	shalt  }
0x72: {  	_ =	shalt  }
0x73: {  	_ =	shalt  }
0x74: {  	_ =	shalt  }
0x75: {  	_ =	shalt  }
0x76: {  	_ =	shalt  }
0x77: {  	_ =	shalt  }
0x78: {  	_ =	shalt  }
0x79: {  	_ =	shalt  }
0x7a: {  	_ =	shalt  }
0x7b: {  	_ =	shalt  }
0x7c: {  	_ =	shalt  }
0x7d: {  	_ =	shalt  }
0x7e: {  	_ =	shalt  }
0x7f: {  	_ =	shalt  }
0x80: {  	_ =	shalt  }
0x81: {  	_ =	shalt  }
0x82: {  	_ =	shalt  }
0x83: {  	_ =	shalt  }
0x84: {  	_ =	shalt  }
0x85: {  	_ =	shalt  }
0x86: {  	_ =	shalt  }
0x87: {  	_ =	shalt  }
.Lfunc_end0:
.L_simem_size_0:
called_computation_lowered:
.L_overlay_start_0:
0x88: {  	s2 =	sld [smem:$0x3FD9]  }
0x89: {  	s3 =	sld [smem:$0x3FFE];
	_ =	sdelay $0x1  }
0x8a: {  	s1 =	srdreg.scid  }
0x8b: {  	s0 =	sand.u32 $0x1, s1  }
0x8c: {  	s16 =	sshll.u32 s0, $0xA;
	s2 =	sadd.s32 s3, s2  }
0x8d: {  	s2 =	sadd.s32 s2, s16  }
0x8e: {  	[smem:$0x3FBD] =	sst s2  }
0x8f: {  	_ = 	snop  }
0x90: {  	(tm) =	ssettm $0x1  }
0x91: {  	s17 =	sld [smem:$0x3FFB];
	_ =	sdelay $0x3  }
0x92: {  	_ =	strace s17  }
0x93: {  	s2 =	sld [smem:$0x3FFC];
	_ =	sdelay $0x3  }
0x94: {  	_ =	strace s2  }
0x95: {  	s2 =	sld [smem:$0x3FFD];
	_ =	sdelay $0x3  }
0x96: {  	_ =	strace s2  }
0x97: {  	_ =	strace $0x8FFFFFFF  }
0x98: {  	s18 =	sld [smem:$0x3FDB];
	_ =	sdelay $0x1  }
0x99: {  	s19 =	simm.s32 $_scs_section_size  }
0x9a: {  	s4 =	simm.s32 $_size__tile_overlayer_lowered;
	s5 =	simm.s32 $_tile_overlayer_lowered  }
0x9b: {  	s22 =	simm.s32 $0x1BFF;
	s21 =	sshll.u32 s5, $0x1;
	s2 =	sadd.s32 s19, s18  }
0x9c: {  	s6 =	simm.s32 $0x0;
	s20 =	sshll.u32 s4, $0x1;
	s4 =	sadd.s32 s21, s2  }
0x9d: {  	[timem:s6], [sflag:s22] =	dma.local [hbm:s4], s20  }
0x9e: {  	_ =	swait.ge [sflag:s22], s20  }
0x9f: {  	s3 =	ssub.s32 $0x0, s20;
	[sflag:s22] =	ssyncset.done $0x0  }
0xa0: {  	[sflag:s22] =	ssyncadd.s32 s3;
	_ =	sdelay $0x1  }
0xa1: {  	s23 =	simm.s32 $0x1B8B  }
0xa2: {  	_ =	swait.ge [sflag:s23], $0x1  }
0xa3: {  	[sflag:s23] =	ssyncset.done $0x0  }
0xa4: {  	s25 =	simm.s32 $0x1B8E;
	s24 =	sld [smem:$0x3FFE];
	[sflag:s23] =	ssyncadd.s32 $0xFFFFFFFF  }
0xa5: {  	s26 =	simm.s32 $execute0_lowered;
	[smem:$0x3FD2] =	sst s25  }
0xa6: {  	s4 =	sshll.u32 s26, $0x1;
	_ =	strace $0x80000046;
	[dreg:$0x1] =	wrdreg $0xFFFFFFFF  }
0xa7: {  	s28 =	simm.s32 $_size_execute0_lowered;
	s2 =	sadd.s32 s2, s4;
	[dreg:$0x0] =	wrdreg $0x0  }
0xa8: {  	s4 =	sshll.u32 s28, $0x1;
	[dreg:$0x2] =	wrdreg s2  }
0xa9: {  	[dreg:$0x3] =	wrdreg s4  }
0xaa: {  	[dreg:$0x4] =	wrdreg $0xC0  }
0xab: {  	_ =	task [dreg:s6], $0x5FFFF  }
0xac: {  	[dreg:$0x1] =	wrdreg $0xFFFFFFFF  }
0xad: {  	[dreg:$0x0] =	wrdreg $0x60  }
0xae: {  	[dreg:$0x2] =	wrdreg s24  }
0xaf: {  	[dreg:$0x3] =	wrdreg $0x9  }
0xb0: {  	_ =	task.clear_ibuf [dreg:s6], $0x4FFFF;
	_ =	strace $0x90000046  }
0xb1: {  	s29 =	simm.s32 $0x9;
	_ =	strace $0x80000048  }
0xb2: {  	_ =	swait.ge [sflag:s29], $0x1  }
0xb3: {  	[sflag:s29] =	ssyncadd.s32 $0xFFFFFFFF  }
0xb4: {  	_ =	strace $0x90000048  }
0xb5: {  	_ =	sfence  }
0xb6: {  	s30 =	sld [smem:$0x0];
	_ =	sdelay $0x2  }
0xb7: {  	s31 =	sshll.u32 s1, $0xD;
	s1 =	sshrl.u32 s1, $0x2  }
0xb8: {  	s3 =	sand.u32 $0x4000, s31;
	s1 =	sadd.s32 s1, s30  }
0xb9: {  	s0 =	sor.u32 s3, s0;
	s1 =	sshll.u32 s1, $0x11  }
0xba: {  	s0 =	sor.u32 s1, s0  }
0xbb: {  	s0 =	sadd.s32 $0x8F2B, s0  }
0xbc: {  	[sflag:s0] =	ssyncadd.remote.s32 $0x1  }
0xbd: {  	_ =	sfence.sel $0xFFFF  }
0xbe: {  	[dreg:$0x0] =	wrdreg $0xFFFFFFFF;
	(pc) =	sbr.abs _section_cstart, $3  }
0xbf: {  	[dreg:$0x1] =	wrdreg $0xFFFFFFFF  }
0xc0: {  	_ =	task.clear_ibuf [dreg:s6], $0x2FFFF;
	_ =	strace $0x9FFFFFFF  }
0xc1: {  	(tm) =	ssettm $0x7FFFFFFF  }
tec
execute0_lowered:
.L_overlay_start_1:
0x0: {  	(tag) =	ssettag $0x1  }
0x1: {  	s1 =	srdreg.scid  }
0x2: {  	s0 =	stileid.u32;
	s5 =	rddreg [dreg:$0x0]  }
0x3: {  	s2 =	simm.s32 $0x0;
	s10 =	simm.s32 $0x80;
	s11 =	simm.s32 $0x1  }
0x4: {  	s12 =	simm.s32 $0x2;
	s6 =	sand.u32 $0x1, s1;
	s3 =	sshll.u32 s0, $0x1  }
0x5: {  	s13 =	simm.s32 $0x1400;
	s14 =	simm.s32 $0x15400;
	s3 =	sor.u32 s6, s3  }
0x6: {  	s15 =	simm.s32 $0x0;
	s1 =	rddreg [dreg:$0x1];
	s7 =	smul.u32 $0x2800, s3  }
0x7: {  	[smem:$0x7FF] =	sst s2;
	s4 =	sadd.s32 $0x1EF000, s5;
	s8 =	smul.u32 $0x280, s3  }
0x8: {  	_ =	strace $0x80000047;
	s6 =	ssub.s32 $0x2, s6;
	s3 =	sadd.s32 $0x1A00, s5  }
0x9: {  	s31 =	sshrl.u32 s6, $0x1;
	s7 =	sadd.s32 s7, s5;
	s8 =	sadd.s32 s8, s5  }
0xa: {  	s9 =	ssub.s32 s6, s31;
	s5 =	sadd.s32 $0x1EA000, s8;
	s6 =	sadd.s32 $0x20DA00, s7  }
0xb: {  	s7 =	sadd.s32 $0x25DA00, s8;
	s8 =	smax.u32 s9, $0x1;
	s9 =	simm.s32 $0x3  }
.LBB2_1:
0xc: {  	[tilespmem:s2], [sflag:$0x3] =	stream.linear.gather [hbm4b:s5+s2], $0x1400, $0x38;
	[tilespmem:$0x16800] =	vst v63  }
0xd: {  	_ =	swait.ge [sflag:s9], $0x1400  }
0xe: {  	s18 =	simm.s32 $0x0;
	s16 =	simm.s32 $0x200;
	[sflag:s9] =	ssyncset.done $0x0  }
0xf: {  	s19 =	simm.s32 $0x15400;
	s17 =	simm.s32 $0x1C00;
	[sflag:s9] =	ssyncadd.s32 $0xFFFFEC00  }
0x10: {  	[tilespmem:s13], [sflag:$0x1] =	stream.indirect.gather [hbm4b:s3+s10], $0x10, s18, s10, $0xb8;
	[tilespmem:$0x16800] =	vst v63  }
.LBB2_2:
0x11: {  	[tilespmem:s19], [sflag:$0x2] =	stream.indirect.gather [hbm4b:s4+s10], $0x1, s18, s10, $0xb8;
	[tilespmem:$0x16800] =	vst v63  }
0x12: {  	s18 =	smov.u32 s16;
	p0 =	sne.s32 s16, $0x4E00  }
.Ltmp0:
0x13: {  	s16 =	sadd.s32 $0x200, s16;
	(pc) =	sbr.rel @p0 .LBB2_2-.Ltmp0, $4  }
0x14: {  	_ = 	snop  }
0x15: {  	s18 =	sshra.s32 s18, $0x2  }
0x16: {  	[tilespmem:s17], [sflag:$0x1] =	stream.indirect.gather [hbm4b:s3+s10], $0x10, s18, s10, $0xb8;
	[tilespmem:$0x16800] =	vst v63  }
0x17: {  	s19 =	sadd.s32 $0x15400, s18;
	s17 =	sadd.s32 $0x800, s17  }
0x18: {  	[tilespmem:s19], [sflag:$0x2] =	stream.indirect.gather [hbm4b:s4+s10], $0x1, s18, s10, $0xb8;
	[tilespmem:$0x16800] =	vst v63  }
0x19: {  	_ =	swait.ge [sflag:s11], $0x800  }
0x1a: {  	[sflag:s11] =	ssyncset.done $0x0  }
0x1b: {  	[sflag:s11] =	ssyncadd.s32 $0xFFFFF800  }
0x1c: {  	_ =	swait.ge [sflag:s12], $0x80  }
0x1d: {  	s16 =	simm.s32 $0x27;
	[sflag:s12] =	ssyncset.done $0x0  }
.LBB2_4:
0x1e: {  	p0 =	sne.s32 s16, $0x1;
	s16 =	sadd.s32 $0xFFFFFFFF, s16;
	[sflag:s12] =	ssyncadd.s32 $0xFFFFFF80  }
.Ltmp1:
0x1f: {  	_ =	swait.ge [sflag:s11], $0x800;
	(pc) =	sbr.rel @p0 .LBB2_4-.Ltmp1, $4  }
0x20: {  	[sflag:s11] =	ssyncset.done $0x0  }
0x21: {  	[sflag:s11] =	ssyncadd.s32 $0xFFFFF800  }
0x22: {  	_ =	swait.ge [sflag:s12], $0x80  }
0x23: {  	[sflag:s12] =	ssyncset.done $0x0  }
0x24: {  	[sflag:s12] =	ssyncadd.s32 $0xFFFFFF80  }
0x25: {  	[hbm4b:s6+s2] =	stream.linear.scatter [tilespmem:s13], [sflag:$0x3], $0x14000, $0x38;
	[tilespmem:$0x16800] =	vst v63  }
0x26: {  	s15 =	sadd.s32 $0x1, s15;
	_ =	swait.ge [sflag:s9], $0x14000  }
0x27: {  	p0 =	sne.s32 s15, s8;
	[sflag:s9] =	ssyncset.done $0x0  }
.Ltmp2:
0x28: {  	[sflag:s9] =	ssyncadd.s32 $0xFFFEC000;
	(pc) =	sbr.rel @p0 .LBB2_1-.Ltmp2, $4  }
0x29: {  	[hbm4b:s7+s2] =	stream.linear.scatter [tilespmem:s14], [sflag:$0x3], $0x1400, $0x38;
	[tilespmem:$0x16800] =	vst v63  }
0x2a: {  	_ =	swait.ge [sflag:s9], $0x1400  }
0x2b: {  	[sflag:s9] =	ssyncset.done $0x0  }
0x2c: {  	[sflag:s9] =	ssyncadd.s32 $0xFFFFEC00  }
0x2d: {  	_ =	sfence.sel $0x180000  }
0x2e: {  	[bflag:$0x0] =	sbarrier.arrive $0xFFFF  }
0x2f: {  	p0 =	sne.s32 s0, $0x0;
	_ =	strace $0x90000047  }
0x30: {  	s0 =	sadd.s32 @!p0 $0x100000, s1;
	[bflag:$0x2] =	sbarrier.arrive $0xFFFF  }
0x31: {  	[sflag:s0] =	ssyncadd.tile.s32 @!p0 $0x1;
	_ =	shalt  }
.Lfunc_end2:
_tile_overlayer_lowered:
.L_overlay_start_2:
0x32: {  	(tag) =	ssettag $0x2  }
0x33: {  	s0 =	rddreg [dreg:$0x0];
	s2 =	stileid.u32  }
0x34: {  	s1 =	rddreg [dreg:$0x1];
	p0 =	sne.s32 s2, $0x0  }
0x35: {  	s3 =	rddreg [dreg:$0x2];
	[bflag:$0x3] =	sbarrier.arrive $0xFFFF;
	s2 =	simm.s32 @!p0 $0x1C03  }
0x36: {  	[timem:s3], [sflag:s2] =	dma.local @!p0 [hbm:s0], s1  }
0x37: {  	s0 =	simm.s32 @!p0 $0x3  }
0x38: {  	_ =	swait.ge @!p0 [sflag:s0], s1  }
0x39: {  	s1 =	ssub.s32 @!p0 $0x0, s1;
	[sflag:s0] =	ssyncset.done @!p0 $0x0  }
0x3a: {  	[sflag:s0] =	ssyncadd.s32 @!p0 s1  }
0x3b: {  	[bflag:$0x3] =	sbarrier.arrive $0xFFFF  }
0x3c: {  	_ =	shalt  }

</sc_bundles>
